<compile_context>
chip_gen: v7x
topology: tpu7x:2x2x1
jax: 0.10.2.dev20260603
libtpu: 0.0.44.dev20260713+nightly
codegen_flags: <defaults>
</compile_context>

<pallas_src>
import functools

import jax
import jax.numpy as jnp
from jax import lax
from jax.experimental import pallas as pl
from jax.experimental.pallas import tpu as pltpu
from jax.experimental.pallas import tpu_sc as plsc

EXPERT_DIM = 512
NUM_EXPERTS = 246
BATCH = 16384
B_SC = 6144
B_TC = BATCH - B_SC
BLK_TC = 2048
_NBLK_TC = B_TC // BLK_TC
_BLK0_TC = B_SC // BLK_TC

_info = plsc.get_sparse_core_info()
_NC, _NS = _info.num_cores, _info.num_subcores
_NW = _NC * _NS
_B_PER_W = B_SC // _NW
_CHUNK = 64
_NB = 3
_NCHUNK = _B_PER_W // _CHUNK
_LOOKAHEAD = 2


def _transform_body(table_ref, w_ref, b_ref, out_ref):
    t = lax.dot_general(
        table_ref[...], w_ref[...],
        dimension_numbers=(((1,), (1,)), ((), ())),
        preferred_element_type=jnp.float32,
    )
    out_ref[...] = t + b_ref[...]


def _transform_table(table, W, b2d):
    return pl.pallas_call(
        _transform_body,
        out_shape=jax.ShapeDtypeStruct((NUM_EXPERTS, EXPERT_DIM), jnp.float32),
    )(table, W, b2d)


@functools.partial(
    pl.kernel,
    out_type=jax.ShapeDtypeStruct((BATCH, EXPERT_DIM), jnp.float32),
    mesh=plsc.VectorSubcoreMesh(core_axis_name="c", subcore_axis_name="s"),
    scratch_types=[
        pltpu.VMEM((_B_PER_W,), jnp.int32),
        pltpu.VMEM((_NB, _CHUNK, EXPERT_DIM), jnp.float32),
        pltpu.SemaphoreType.DMA((_NB,)),
        pltpu.SemaphoreType.DMA((_NB,)),
    ],
)
def _gather_rows(t_hbm, idx_hbm, out_hbm, idx_v, rows, gsem, ssem):
    wid = lax.axis_index("s") * _NC + lax.axis_index("c")
    base = wid * _B_PER_W
    pltpu.sync_copy(idx_hbm.at[pl.ds(base, _B_PER_W)], idx_v)

    def gather(j):
        s = j % _NB
        return pltpu.async_copy(
            t_hbm.at[idx_v.at[pl.ds(j * _CHUNK, _CHUNK)]], rows.at[s], gsem.at[s]
        )

    def scatter(c):
        s = c % _NB
        return pltpu.async_copy(
            rows.at[s], out_hbm.at[pl.ds(base + c * _CHUNK, _CHUNK)], ssem.at[s]
        )

    gcops = [None] * _NCHUNK
    scops = [None] * _NCHUNK
    for j in range(_LOOKAHEAD):
        gcops[j] = gather(j)
    for c in range(_NCHUNK):
        j = c + _LOOKAHEAD
        if j < _NCHUNK:
            if j >= _NB:
                scops[j - _NB].wait()
            gcops[j] = gather(j)
        gcops[c].wait()
        scops[c] = scatter(c)
    for c in range(_NCHUNK - _NB, _NCHUNK):
        scops[c].wait()


def _onehot_body(idx_ref, t_ref, y_ref, out_ref):
    del y_ref
    ids = idx_ref[0, 0, :]
    oh = (ids[:, None]
          == lax.broadcasted_iota(jnp.int32, (BLK_TC, NUM_EXPERTS), 1)
          ).astype(jnp.float32)
    out_ref[...] = jnp.dot(oh, t_ref[...], preferred_element_type=jnp.float32)


def _onehot_fill(idx3d, t, y):
    return pl.pallas_call(
        _onehot_body,
        grid=(_NBLK_TC,),
        in_specs=[
            pl.BlockSpec((1, 1, BLK_TC), lambda i: (_BLK0_TC + i, 0, 0)),
            pl.BlockSpec((NUM_EXPERTS, EXPERT_DIM), lambda i: (0, 0)),
            pl.BlockSpec(memory_space=pl.ANY),
        ],
        out_specs=pl.BlockSpec(
            (BLK_TC, EXPERT_DIM), lambda i: (_BLK0_TC + i, 0)
        ),
        out_shape=jax.ShapeDtypeStruct((BATCH, EXPERT_DIM), jnp.float32),
        input_output_aliases={2: 0},
    )(idx3d, t, y)


def kernel(expert_id, table, W, b):
    t = _transform_table(table, W, b.reshape(1, EXPERT_DIM))
    idx = expert_id.astype(jnp.int32)
    y = _gather_rows(t, idx)
    idx3d = idx.reshape(BATCH // BLK_TC, 1, BLK_TC)
    return _onehot_fill(idx3d, t, y)

# --- scband reference (transcript-rebuilt; emitter-appended) ---
"""Pipeline reference for scband-expert-encoder-3341484556350 (READ-ONLY COPY).

The authoritative reference and input builder live on the scoring server;
editing this copy changes nothing except your own understanding.
"""

import jax, jax.numpy as jnp
import numpy as np

EXPERT_DIM = 512
NUM_EXPERTS = 246
BATCH = 16384

def setup_inputs(seed: int = 0) -> dict:
    key = jax.random.key(seed)
    k1, k2, k3, k4 = jax.random.split(key, 4)
    expert_id = jax.random.randint(k1, (BATCH,), 0, NUM_EXPERTS, dtype=jnp.int64 if jax.config.read('jax_enable_x64') else jnp.int32)
    table = jax.random.normal(k2, (NUM_EXPERTS, EXPERT_DIM), dtype=jnp.float32)
    W = jax.random.normal(k3, (EXPERT_DIM, EXPERT_DIM), dtype=jnp.float32) * (1.0 / np.sqrt(EXPERT_DIM))
    b = jax.random.normal(k4, (EXPERT_DIM,), dtype=jnp.float32) * 0.01
    return {"expert_id": expert_id, "table": table, "W": W, "b": b}

def reference(expert_id, table, W, b):
    # nn.Embedding lookup
    expert_embed = jnp.take(table, expert_id, axis=0)  # [B, expert_dim]
    # nn.Linear: y = x @ W^T + b
    out = expert_embed @ W.T + b
    return out

if __name__ == "__main__":
    import jax
    _d = setup_inputs()
    print(jax.jit(kernel)(*tuple(_d.values())))

</pallas_src>

<mosaic_0001>
#map = affine_map<(d0, d1) -> (0, 0)>
#map1 = affine_map<(d0, d1) -> (0)>
module attributes {stable_mosaic.version = 14 : i64} {
  func.func @_gather_rows(%arg0: i32, %arg1: i32, %arg2: memref<246x512xf32, #tpu.memory_space<hbm>>, %arg3: memref<16384xi32, #tpu.memory_space<hbm>>, %arg4: memref<16384x512xf32, #tpu.memory_space<hbm>>, %arg5: memref<192xi32, #tpu.memory_space<vmem>>, %arg6: memref<3x64x512xf32, #tpu.memory_space<vmem>>, %arg7: memref<3x!tpu.dma_semaphore, #tpu.memory_space<semaphore_mem>>, %arg8: memref<3x!tpu.dma_semaphore, #tpu.memory_space<semaphore_mem>>) attributes {dimension_semantics = [#tpu.dimension_semantics<core_parallel>, #tpu.dimension_semantics<subcore_parallel>], iteration_bounds = array<i64: 2, 16>, scalar_prefetch = 0 : i64, scratch_operands = 4 : i64, tpu.core_type = #tpu.core_type<sc_vector_subcore>, window_params = [{transform_indices = #map}, {transform_indices = #map1}, {transform_indices = #map}]} {
    %mul3A = arith.constant 2 : i32
    %mul3A_0 = arith.muli %arg1, %mul3A : i32
    %add3A = arith.addi %mul3A_0, %arg0 : i32
    %mul3A_1 = arith.constant 192 : i32
    %mul3A_2 = arith.muli %add3A, %mul3A_1 : i32
    "tpu.region"() ({
      %run_scoped3A = tpu.sem_alloc : memref<!tpu.dma_semaphore, #tpu.memory_space<semaphore_mem>>
      %dma_start3A_181 = tpu.memref_slice %arg3[%mul3A_2] : memref<16384xi32, #tpu.memory_space<hbm>> -> memref<192xi32, #tpu.memory_space<hbm>>
      %dma_start3A_182 = tpu.memref_slice %arg3[%mul3A_2] : memref<16384xi32, #tpu.memory_space<hbm>> -> memref<192xi32, #tpu.memory_space<hbm>>
      tpu.enqueue_dma source(%dma_start3A_182 : memref<192xi32, #tpu.memory_space<hbm>>) target(%arg5 : memref<192xi32, #tpu.memory_space<vmem>>) target_semaphore(%run_scoped3A : memref<!tpu.dma_semaphore, #tpu.memory_space<semaphore_mem>>)
      %dma_wait3A_183 = tpu.memref_slice %arg3[%mul3A_2] : memref<16384xi32, #tpu.memory_space<hbm>> -> memref<192xi32, #tpu.memory_space<hbm>>
      %dma_wait3A_184 = tpu.memref_slice %arg3[%mul3A_2] : memref<16384xi32, #tpu.memory_space<hbm>> -> memref<192xi32, #tpu.memory_space<hbm>>
      tpu.wait_dma2 semaphore(%run_scoped3A : memref<!tpu.dma_semaphore, #tpu.memory_space<semaphore_mem>>) src(%dma_wait3A_184 : memref<192xi32, #tpu.memory_space<hbm>>) dst(%arg5 : memref<192xi32, #tpu.memory_space<vmem>>)
      tpu.yield
    }) : () -> ()
    %dma_start3A = arith.constant 0 : i32
    %dma_start3A_3 = arith.constant 0 : i32
    %dma_start3A_4 = arith.constant 0 : i32
    %dma_start3A_5 = arith.constant 0 : i32
    %dma_start3A_6 = tpu.memref_slice %arg6[%dma_start3A, %dma_start3A_4, %dma_start3A_5] : memref<3x64x512xf32, #tpu.memory_space<vmem>> -> memref<1x64x512xf32, #tpu.memory_space<vmem>>
    %dma_start3A_7 = tpu.memref_squeeze %dma_start3A_6 : memref<1x64x512xf32, #tpu.memory_space<vmem>> -> memref<64x512xf32, #tpu.memory_space<vmem>>
    %dma_start3A_8 = arith.constant 0 : i32
    %dma_start3A_9 = tpu.memref_slice %arg5[%dma_start3A_8] : memref<192xi32, #tpu.memory_space<vmem>> -> memref<64xi32, #tpu.memory_space<vmem>>
    %dma_start3A_10 = arith.constant 0 : i32
    %dma_start3A_11 = arith.constant 0 : i32
    %dma_start3A_12 = tpu.memref_slice %arg2[%dma_start3A_10, %dma_start3A_11] : memref<246x512xf32, #tpu.memory_space<hbm>> -> memref<246x512xf32, #tpu.memory_space<hbm>>
    %dma_start3A_13 = tpu.memref_slice %arg7[%dma_start3A_3] : memref<3x!tpu.dma_semaphore, #tpu.memory_space<semaphore_mem>> -> memref<1x!tpu.dma_semaphore, #tpu.memory_space<semaphore_mem>>
    %dma_start3A_14 = tpu.memref_squeeze %dma_start3A_13 : memref<1x!tpu.dma_semaphore, #tpu.memory_space<semaphore_mem>> -> memref<!tpu.dma_semaphore, #tpu.memory_space<semaphore_mem>>
    tpu.enqueue_indirect_dma source(%dma_start3A_12 : memref<246x512xf32, #tpu.memory_space<hbm>>) target(%dma_start3A_7 : memref<64x512xf32, #tpu.memory_space<vmem>>) offsets(%dma_start3A_9 : memref<64xi32, #tpu.memory_space<vmem>>) semaphore(%dma_start3A_14 : memref<!tpu.dma_semaphore, #tpu.memory_space<semaphore_mem>>)
    %dma_start3A_15 = arith.constant 1 : i32
    %dma_start3A_16 = arith.constant 1 : i32
    %dma_start3A_17 = arith.constant 0 : i32
    %dma_start3A_18 = arith.constant 0 : i32
    %dma_start3A_19 = tpu.memref_slice %arg6[%dma_start3A_15, %dma_start3A_17, %dma_start3A_18] : memref<3x64x512xf32, #tpu.memory_space<vmem>> -> memref<1x64x512xf32, #tpu.memory_space<vmem>>
    %dma_start3A_20 = tpu.memref_squeeze %dma_start3A_19 : memref<1x64x512xf32, #tpu.memory_space<vmem>> -> memref<64x512xf32, #tpu.memory_space<vmem>>
    %dma_start3A_21 = arith.constant 64 : i32
    %dma_start3A_22 = tpu.memref_slice %arg5[%dma_start3A_21] : memref<192xi32, #tpu.memory_space<vmem>> -> memref<64xi32, #tpu.memory_space<vmem>>
    %dma_start3A_23 = arith.constant 0 : i32
    %dma_start3A_24 = arith.constant 0 : i32
    %dma_start3A_25 = tpu.memref_slice %arg2[%dma_start3A_23, %dma_start3A_24] : memref<246x512xf32, #tpu.memory_space<hbm>> -> memref<246x512xf32, #tpu.memory_space<hbm>>
    %dma_start3A_26 = tpu.memref_slice %arg7[%dma_start3A_16] : memref<3x!tpu.dma_semaphore, #tpu.memory_space<semaphore_mem>> -> memref<1x!tpu.dma_semaphore, #tpu.memory_space<semaphore_mem>>
    %dma_start3A_27 = tpu.memref_squeeze %dma_start3A_26 : memref<1x!tpu.dma_semaphore, #tpu.memory_space<semaphore_mem>> -> memref<!tpu.dma_semaphore, #tpu.memory_space<semaphore_mem>>
    tpu.enqueue_indirect_dma source(%dma_start3A_25 : memref<246x512xf32, #tpu.memory_space<hbm>>) target(%dma_start3A_20 : memref<64x512xf32, #tpu.memory_space<vmem>>) offsets(%dma_start3A_22 : memref<64xi32, #tpu.memory_space<vmem>>) semaphore(%dma_start3A_27 : memref<!tpu.dma_semaphore, #tpu.memory_space<semaphore_mem>>)
    %dma_start3A_28 = arith.constant 2 : i32
    %dma_start3A_29 = arith.constant 2 : i32
    %dma_start3A_30 = arith.constant 0 : i32
    %dma_start3A_31 = arith.constant 0 : i32
    %dma_start3A_32 = tpu.memref_slice %arg6[%dma_start3A_28, %dma_start3A_30, %dma_start3A_31] : memref<3x64x512xf32, #tpu.memory_space<vmem>> -> memref<1x64x512xf32, #tpu.memory_space<vmem>>
    %dma_start3A_33 = tpu.memref_squeeze %dma_start3A_32 : memref<1x64x512xf32, #tpu.memory_space<vmem>> -> memref<64x512xf32, #tpu.memory_space<vmem>>
    %dma_start3A_34 = arith.constant 128 : i32
    %dma_start3A_35 = tpu.memref_slice %arg5[%dma_start3A_34] : memref<192xi32, #tpu.memory_space<vmem>> -> memref<64xi32, #tpu.memory_space<vmem>>
    %dma_start3A_36 = arith.constant 0 : i32
    %dma_start3A_37 = arith.constant 0 : i32
    %dma_start3A_38 = tpu.memref_slice %arg2[%dma_start3A_36, %dma_start3A_37] : memref<246x512xf32, #tpu.memory_space<hbm>> -> memref<246x512xf32, #tpu.memory_space<hbm>>
    %dma_start3A_39 = tpu.memref_slice %arg7[%dma_start3A_29] : memref<3x!tpu.dma_semaphore, #tpu.memory_space<semaphore_mem>> -> memref<1x!tpu.dma_semaphore, #tpu.memory_space<semaphore_mem>>
    %dma_start3A_40 = tpu.memref_squeeze %dma_start3A_39 : memref<1x!tpu.dma_semaphore, #tpu.memory_space<semaphore_mem>> -> memref<!tpu.dma_semaphore, #tpu.memory_space<semaphore_mem>>
    tpu.enqueue_indirect_dma source(%dma_start3A_38 : memref<246x512xf32, #tpu.memory_space<hbm>>) target(%dma_start3A_33 : memref<64x512xf32, #tpu.memory_space<vmem>>) offsets(%dma_start3A_35 : memref<64xi32, #tpu.memory_space<vmem>>) semaphore(%dma_start3A_40 : memref<!tpu.dma_semaphore, #tpu.memory_space<semaphore_mem>>)
    %dma_wait3A = arith.constant 0 : i32
    %dma_wait3A_41 = arith.constant 0 : i32
    %dma_wait3A_42 = arith.constant 0 : i32
    %dma_wait3A_43 = arith.constant 0 : i32
    %dma_wait3A_44 = tpu.memref_slice %arg6[%dma_wait3A, %dma_wait3A_42, %dma_wait3A_43] : memref<3x64x512xf32, #tpu.memory_space<vmem>> -> memref<1x64x512xf32, #tpu.memory_space<vmem>>
    %dma_wait3A_45 = tpu.memref_squeeze %dma_wait3A_44 : memref<1x64x512xf32, #tpu.memory_space<vmem>> -> memref<64x512xf32, #tpu.memory_space<vmem>>
    %dma_wait3A_46 = arith.constant 0 : i32
    %dma_wait3A_47 = tpu.memref_slice %arg5[%dma_wait3A_46] : memref<192xi32, #tpu.memory_space<vmem>> -> memref<64xi32, #tpu.memory_space<vmem>>
    %dma_wait3A_48 = arith.constant 0 : i32
    %dma_wait3A_49 = arith.constant 0 : i32
    %dma_wait3A_50 = tpu.memref_slice %arg2[%dma_wait3A_48, %dma_wait3A_49] : memref<246x512xf32, #tpu.memory_space<hbm>> -> memref<246x512xf32, #tpu.memory_space<hbm>>
    %dma_wait3A_51 = tpu.memref_slice %arg7[%dma_wait3A_41] : memref<3x!tpu.dma_semaphore, #tpu.memory_space<semaphore_mem>> -> memref<1x!tpu.dma_semaphore, #tpu.memory_space<semaphore_mem>>
    %dma_wait3A_52 = tpu.memref_squeeze %dma_wait3A_51 : memref<1x!tpu.dma_semaphore, #tpu.memory_space<semaphore_mem>> -> memref<!tpu.dma_semaphore, #tpu.memory_space<semaphore_mem>>
    tpu.wait_indirect_dma semaphore(%dma_wait3A_52 : memref<!tpu.dma_semaphore, #tpu.memory_space<semaphore_mem>>) src(%dma_wait3A_50 : memref<246x512xf32, #tpu.memory_space<hbm>>) dst(%dma_wait3A_45 : memref<64x512xf32, #tpu.memory_space<vmem>>)
    %add3A_53 = arith.constant 0 : i32
    %add3A_54 = arith.addi %mul3A_2, %add3A_53 : i32
    %dma_start3A_55 = arith.constant 0 : i32
    %dma_start3A_56 = arith.constant 0 : i32
    %dma_start3A_57 = arith.constant 0 : i32
    %dma_start3A_58 = arith.constant 0 : i32
    %dma_start3A_59 = tpu.memref_slice %arg6[%dma_start3A_55, %dma_start3A_57, %dma_start3A_58] : memref<3x64x512xf32, #tpu.memory_space<vmem>> -> memref<1x64x512xf32, #tpu.memory_space<vmem>>
    %dma_start3A_60 = tpu.memref_squeeze %dma_start3A_59 : memref<1x64x512xf32, #tpu.memory_space<vmem>> -> memref<64x512xf32, #tpu.memory_space<vmem>>
    %dma_start3A_61 = arith.constant 0 : i32
    %dma_start3A_62 = tpu.memref_slice %arg4[%add3A_54, %dma_start3A_61] : memref<16384x512xf32, #tpu.memory_space<hbm>> -> memref<64x512xf32, #tpu.memory_space<hbm>>
    %dma_start3A_63 = tpu.memref_slice %arg8[%dma_start3A_56] : memref<3x!tpu.dma_semaphore, #tpu.memory_space<semaphore_mem>> -> memref<1x!tpu.dma_semaphore, #tpu.memory_space<semaphore_mem>>
    %dma_start3A_64 = tpu.memref_squeeze %dma_start3A_63 : memref<1x!tpu.dma_semaphore, #tpu.memory_space<semaphore_mem>> -> memref<!tpu.dma_semaphore, #tpu.memory_space<semaphore_mem>>
    %dma_start3A_65 = arith.constant 0 : i32
    %dma_start3A_66 = tpu.memref_slice %arg4[%add3A_54, %dma_start3A_65] : memref<16384x512xf32, #tpu.memory_space<hbm>> -> memref<64x512xf32, #tpu.memory_space<hbm>>
    %dma_start3A_67 = arith.constant 0 : i32
    %dma_start3A_68 = arith.constant 0 : i32
    %dma_start3A_69 = tpu.memref_slice %arg6[%dma_start3A_55, %dma_start3A_67, %dma_start3A_68] : memref<3x64x512xf32, #tpu.memory_space<vmem>> -> memref<1x64x512xf32, #tpu.memory_space<vmem>>
    %dma_start3A_70 = tpu.memref_squeeze %dma_start3A_69 : memref<1x64x512xf32, #tpu.memory_space<vmem>> -> memref<64x512xf32, #tpu.memory_space<vmem>>
    tpu.enqueue_dma source(%dma_start3A_70 : memref<64x512xf32, #tpu.memory_space<vmem>>) target(%dma_start3A_66 : memref<64x512xf32, #tpu.memory_space<hbm>>) target_semaphore(%dma_start3A_64 : memref<!tpu.dma_semaphore, #tpu.memory_space<semaphore_mem>>)
    %dma_wait3A_71 = arith.constant 1 : i32
    %dma_wait3A_72 = arith.constant 1 : i32
    %dma_wait3A_73 = arith.constant 0 : i32
    %dma_wait3A_74 = arith.constant 0 : i32
    %dma_wait3A_75 = tpu.memref_slice %arg6[%dma_wait3A_71, %dma_wait3A_73, %dma_wait3A_74] : memref<3x64x512xf32, #tpu.memory_space<vmem>> -> memref<1x64x512xf32, #tpu.memory_space<vmem>>
    %dma_wait3A_76 = tpu.memref_squeeze %dma_wait3A_75 : memref<1x64x512xf32, #tpu.memory_space<vmem>> -> memref<64x512xf32, #tpu.memory_space<vmem>>
    %dma_wait3A_77 = arith.constant 64 : i32
    %dma_wait3A_78 = tpu.memref_slice %arg5[%dma_wait3A_77] : memref<192xi32, #tpu.memory_space<vmem>> -> memref<64xi32, #tpu.memory_space<vmem>>
    %dma_wait3A_79 = arith.constant 0 : i32
    %dma_wait3A_80 = arith.constant 0 : i32
    %dma_wait3A_81 = tpu.memref_slice %arg2[%dma_wait3A_79, %dma_wait3A_80] : memref<246x512xf32, #tpu.memory_space<hbm>> -> memref<246x512xf32, #tpu.memory_space<hbm>>
    %dma_wait3A_82 = tpu.memref_slice %arg7[%dma_wait3A_72] : memref<3x!tpu.dma_semaphore, #tpu.memory_space<semaphore_mem>> -> memref<1x!tpu.dma_semaphore, #tpu.memory_space<semaphore_mem>>
    %dma_wait3A_83 = tpu.memref_squeeze %dma_wait3A_82 : memref<1x!tpu.dma_semaphore, #tpu.memory_space<semaphore_mem>> -> memref<!tpu.dma_semaphore, #tpu.memory_space<semaphore_mem>>
    tpu.wait_indirect_dma semaphore(%dma_wait3A_83 : memref<!tpu.dma_semaphore, #tpu.memory_space<semaphore_mem>>) src(%dma_wait3A_81 : memref<246x512xf32, #tpu.memory_space<hbm>>) dst(%dma_wait3A_76 : memref<64x512xf32, #tpu.memory_space<vmem>>)
    %add3A_84 = arith.constant 64 : i32
    %add3A_85 = arith.addi %mul3A_2, %add3A_84 : i32
    %dma_start3A_86 = arith.constant 1 : i32
    %dma_start3A_87 = arith.constant 1 : i32
    %dma_start3A_88 = arith.constant 0 : i32
    %dma_start3A_89 = arith.constant 0 : i32
    %dma_start3A_90 = tpu.memref_slice %arg6[%dma_start3A_86, %dma_start3A_88, %dma_start3A_89] : memref<3x64x512xf32, #tpu.memory_space<vmem>> -> memref<1x64x512xf32, #tpu.memory_space<vmem>>
    %dma_start3A_91 = tpu.memref_squeeze %dma_start3A_90 : memref<1x64x512xf32, #tpu.memory_space<vmem>> -> memref<64x512xf32, #tpu.memory_space<vmem>>
    %dma_start3A_92 = arith.constant 0 : i32
    %dma_start3A_93 = tpu.memref_slice %arg4[%add3A_85, %dma_start3A_92] : memref<16384x512xf32, #tpu.memory_space<hbm>> -> memref<64x512xf32, #tpu.memory_space<hbm>>
    %dma_start3A_94 = tpu.memref_slice %arg8[%dma_start3A_87] : memref<3x!tpu.dma_semaphore, #tpu.memory_space<semaphore_mem>> -> memref<1x!tpu.dma_semaphore, #tpu.memory_space<semaphore_mem>>
    %dma_start3A_95 = tpu.memref_squeeze %dma_start3A_94 : memref<1x!tpu.dma_semaphore, #tpu.memory_space<semaphore_mem>> -> memref<!tpu.dma_semaphore, #tpu.memory_space<semaphore_mem>>
    %dma_start3A_96 = arith.constant 0 : i32
    %dma_start3A_97 = tpu.memref_slice %arg4[%add3A_85, %dma_start3A_96] : memref<16384x512xf32, #tpu.memory_space<hbm>> -> memref<64x512xf32, #tpu.memory_space<hbm>>
    %dma_start3A_98 = arith.constant 0 : i32
    %dma_start3A_99 = arith.constant 0 : i32
    %dma_start3A_100 = tpu.memref_slice %arg6[%dma_start3A_86, %dma_start3A_98, %dma_start3A_99] : memref<3x64x512xf32, #tpu.memory_space<vmem>> -> memref<1x64x512xf32, #tpu.memory_space<vmem>>
    %dma_start3A_101 = tpu.memref_squeeze %dma_start3A_100 : memref<1x64x512xf32, #tpu.memory_space<vmem>> -> memref<64x512xf32, #tpu.memory_space<vmem>>
    tpu.enqueue_dma source(%dma_start3A_101 : memref<64x512xf32, #tpu.memory_space<vmem>>) target(%dma_start3A_97 : memref<64x512xf32, #tpu.memory_space<hbm>>) target_semaphore(%dma_start3A_95 : memref<!tpu.dma_semaphore, #tpu.memory_space<semaphore_mem>>)
    %dma_wait3A_102 = arith.constant 2 : i32
    %dma_wait3A_103 = arith.constant 2 : i32
    %dma_wait3A_104 = arith.constant 0 : i32
    %dma_wait3A_105 = arith.constant 0 : i32
    %dma_wait3A_106 = tpu.memref_slice %arg6[%dma_wait3A_102, %dma_wait3A_104, %dma_wait3A_105] : memref<3x64x512xf32, #tpu.memory_space<vmem>> -> memref<1x64x512xf32, #tpu.memory_space<vmem>>
    %dma_wait3A_107 = tpu.memref_squeeze %dma_wait3A_106 : memref<1x64x512xf32, #tpu.memory_space<vmem>> -> memref<64x512xf32, #tpu.memory_space<vmem>>
    %dma_wait3A_108 = arith.constant 128 : i32
    %dma_wait3A_109 = tpu.memref_slice %arg5[%dma_wait3A_108] : memref<192xi32, #tpu.memory_space<vmem>> -> memref<64xi32, #tpu.memory_space<vmem>>
    %dma_wait3A_110 = arith.constant 0 : i32
    %dma_wait3A_111 = arith.constant 0 : i32
    %dma_wait3A_112 = tpu.memref_slice %arg2[%dma_wait3A_110, %dma_wait3A_111] : memref<246x512xf32, #tpu.memory_space<hbm>> -> memref<246x512xf32, #tpu.memory_space<hbm>>
    %dma_wait3A_113 = tpu.memref_slice %arg7[%dma_wait3A_103] : memref<3x!tpu.dma_semaphore, #tpu.memory_space<semaphore_mem>> -> memref<1x!tpu.dma_semaphore, #tpu.memory_space<semaphore_mem>>
    %dma_wait3A_114 = tpu.memref_squeeze %dma_wait3A_113 : memref<1x!tpu.dma_semaphore, #tpu.memory_space<semaphore_mem>> -> memref<!tpu.dma_semaphore, #tpu.memory_space<semaphore_mem>>
    tpu.wait_indirect_dma semaphore(%dma_wait3A_114 : memref<!tpu.dma_semaphore, #tpu.memory_space<semaphore_mem>>) src(%dma_wait3A_112 : memref<246x512xf32, #tpu.memory_space<hbm>>) dst(%dma_wait3A_107 : memref<64x512xf32, #tpu.memory_space<vmem>>)
    %add3A_115 = arith.constant 128 : i32
    %add3A_116 = arith.addi %mul3A_2, %add3A_115 : i32
    %dma_start3A_117 = arith.constant 2 : i32
    %dma_start3A_118 = arith.constant 2 : i32
    %dma_start3A_119 = arith.constant 0 : i32
    %dma_start3A_120 = arith.constant 0 : i32
    %dma_start3A_121 = tpu.memref_slice %arg6[%dma_start3A_117, %dma_start3A_119, %dma_start3A_120] : memref<3x64x512xf32, #tpu.memory_space<vmem>> -> memref<1x64x512xf32, #tpu.memory_space<vmem>>
    %dma_start3A_122 = tpu.memref_squeeze %dma_start3A_121 : memref<1x64x512xf32, #tpu.memory_space<vmem>> -> memref<64x512xf32, #tpu.memory_space<vmem>>
    %dma_start3A_123 = arith.constant 0 : i32
    %dma_start3A_124 = tpu.memref_slice %arg4[%add3A_116, %dma_start3A_123] : memref<16384x512xf32, #tpu.memory_space<hbm>> -> memref<64x512xf32, #tpu.memory_space<hbm>>
    %dma_start3A_125 = tpu.memref_slice %arg8[%dma_start3A_118] : memref<3x!tpu.dma_semaphore, #tpu.memory_space<semaphore_mem>> -> memref<1x!tpu.dma_semaphore, #tpu.memory_space<semaphore_mem>>
    %dma_start3A_126 = tpu.memref_squeeze %dma_start3A_125 : memref<1x!tpu.dma_semaphore, #tpu.memory_space<semaphore_mem>> -> memref<!tpu.dma_semaphore, #tpu.memory_space<semaphore_mem>>
    %dma_start3A_127 = arith.constant 0 : i32
    %dma_start3A_128 = tpu.memref_slice %arg4[%add3A_116, %dma_start3A_127] : memref<16384x512xf32, #tpu.memory_space<hbm>> -> memref<64x512xf32, #tpu.memory_space<hbm>>
    %dma_start3A_129 = arith.constant 0 : i32
    %dma_start3A_130 = arith.constant 0 : i32
    %dma_start3A_131 = tpu.memref_slice %arg6[%dma_start3A_117, %dma_start3A_129, %dma_start3A_130] : memref<3x64x512xf32, #tpu.memory_space<vmem>> -> memref<1x64x512xf32, #tpu.memory_space<vmem>>
    %dma_start3A_132 = tpu.memref_squeeze %dma_start3A_131 : memref<1x64x512xf32, #tpu.memory_space<vmem>> -> memref<64x512xf32, #tpu.memory_space<vmem>>
    tpu.enqueue_dma source(%dma_start3A_132 : memref<64x512xf32, #tpu.memory_space<vmem>>) target(%dma_start3A_128 : memref<64x512xf32, #tpu.memory_space<hbm>>) target_semaphore(%dma_start3A_126 : memref<!tpu.dma_semaphore, #tpu.memory_space<semaphore_mem>>)
    %dma_wait3A_133 = arith.constant 0 : i32
    %dma_wait3A_134 = arith.constant 0 : i32
    %dma_wait3A_135 = arith.constant 0 : i32
    %dma_wait3A_136 = arith.constant 0 : i32
    %dma_wait3A_137 = tpu.memref_slice %arg6[%dma_wait3A_133, %dma_wait3A_135, %dma_wait3A_136] : memref<3x64x512xf32, #tpu.memory_space<vmem>> -> memref<1x64x512xf32, #tpu.memory_space<vmem>>
    %dma_wait3A_138 = tpu.memref_squeeze %dma_wait3A_137 : memref<1x64x512xf32, #tpu.memory_space<vmem>> -> memref<64x512xf32, #tpu.memory_space<vmem>>
    %dma_wait3A_139 = arith.constant 0 : i32
    %dma_wait3A_140 = tpu.memref_slice %arg4[%add3A_54, %dma_wait3A_139] : memref<16384x512xf32, #tpu.memory_space<hbm>> -> memref<64x512xf32, #tpu.memory_space<hbm>>
    %dma_wait3A_141 = tpu.memref_slice %arg8[%dma_wait3A_134] : memref<3x!tpu.dma_semaphore, #tpu.memory_space<semaphore_mem>> -> memref<1x!tpu.dma_semaphore, #tpu.memory_space<semaphore_mem>>
    %dma_wait3A_142 = tpu.memref_squeeze %dma_wait3A_141 : memref<1x!tpu.dma_semaphore, #tpu.memory_space<semaphore_mem>> -> memref<!tpu.dma_semaphore, #tpu.memory_space<semaphore_mem>>
    %dma_wait3A_143 = arith.constant 0 : i32
    %dma_wait3A_144 = tpu.memref_slice %arg4[%add3A_54, %dma_wait3A_143] : memref<16384x512xf32, #tpu.memory_space<hbm>> -> memref<64x512xf32, #tpu.memory_space<hbm>>
    %dma_wait3A_145 = arith.constant 0 : i32
    %dma_wait3A_146 = arith.constant 0 : i32
    %dma_wait3A_147 = tpu.memref_slice %arg6[%dma_wait3A_133, %dma_wait3A_145, %dma_wait3A_146] : memref<3x64x512xf32, #tpu.memory_space<vmem>> -> memref<1x64x512xf32, #tpu.memory_space<vmem>>
    %dma_wait3A_148 = tpu.memref_squeeze %dma_wait3A_147 : memref<1x64x512xf32, #tpu.memory_space<vmem>> -> memref<64x512xf32, #tpu.memory_space<vmem>>
    tpu.wait_dma2 semaphore(%dma_wait3A_142 : memref<!tpu.dma_semaphore, #tpu.memory_space<semaphore_mem>>) src(%dma_wait3A_148 : memref<64x512xf32, #tpu.memory_space<vmem>>) dst(%dma_wait3A_144 : memref<64x512xf32, #tpu.memory_space<hbm>>)
    %dma_wait3A_149 = arith.constant 1 : i32
    %dma_wait3A_150 = arith.constant 1 : i32
    %dma_wait3A_151 = arith.constant 0 : i32
    %dma_wait3A_152 = arith.constant 0 : i32
    %dma_wait3A_153 = tpu.memref_slice %arg6[%dma_wait3A_149, %dma_wait3A_151, %dma_wait3A_152] : memref<3x64x512xf32, #tpu.memory_space<vmem>> -> memref<1x64x512xf32, #tpu.memory_space<vmem>>
    %dma_wait3A_154 = tpu.memref_squeeze %dma_wait3A_153 : memref<1x64x512xf32, #tpu.memory_space<vmem>> -> memref<64x512xf32, #tpu.memory_space<vmem>>
    %dma_wait3A_155 = arith.constant 0 : i32
    %dma_wait3A_156 = tpu.memref_slice %arg4[%add3A_85, %dma_wait3A_155] : memref<16384x512xf32, #tpu.memory_space<hbm>> -> memref<64x512xf32, #tpu.memory_space<hbm>>
    %dma_wait3A_157 = tpu.memref_slice %arg8[%dma_wait3A_150] : memref<3x!tpu.dma_semaphore, #tpu.memory_space<semaphore_mem>> -> memref<1x!tpu.dma_semaphore, #tpu.memory_space<semaphore_mem>>
    %dma_wait3A_158 = tpu.memref_squeeze %dma_wait3A_157 : memref<1x!tpu.dma_semaphore, #tpu.memory_space<semaphore_mem>> -> memref<!tpu.dma_semaphore, #tpu.memory_space<semaphore_mem>>
    %dma_wait3A_159 = arith.constant 0 : i32
    %dma_wait3A_160 = tpu.memref_slice %arg4[%add3A_85, %dma_wait3A_159] : memref<16384x512xf32, #tpu.memory_space<hbm>> -> memref<64x512xf32, #tpu.memory_space<hbm>>
    %dma_wait3A_161 = arith.constant 0 : i32
    %dma_wait3A_162 = arith.constant 0 : i32
    %dma_wait3A_163 = tpu.memref_slice %arg6[%dma_wait3A_149, %dma_wait3A_161, %dma_wait3A_162] : memref<3x64x512xf32, #tpu.memory_space<vmem>> -> memref<1x64x512xf32, #tpu.memory_space<vmem>>
    %dma_wait3A_164 = tpu.memref_squeeze %dma_wait3A_163 : memref<1x64x512xf32, #tpu.memory_space<vmem>> -> memref<64x512xf32, #tpu.memory_space<vmem>>
    tpu.wait_dma2 semaphore(%dma_wait3A_158 : memref<!tpu.dma_semaphore, #tpu.memory_space<semaphore_mem>>) src(%dma_wait3A_164 : memref<64x512xf32, #tpu.memory_space<vmem>>) dst(%dma_wait3A_160 : memref<64x512xf32, #tpu.memory_space<hbm>>)
    %dma_wait3A_165 = arith.constant 2 : i32
    %dma_wait3A_166 = arith.constant 2 : i32
    %dma_wait3A_167 = arith.constant 0 : i32
    %dma_wait3A_168 = arith.constant 0 : i32
    %dma_wait3A_169 = tpu.memref_slice %arg6[%dma_wait3A_165, %dma_wait3A_167, %dma_wait3A_168] : memref<3x64x512xf32, #tpu.memory_space<vmem>> -> memref<1x64x512xf32, #tpu.memory_space<vmem>>
    %dma_wait3A_170 = tpu.memref_squeeze %dma_wait3A_169 : memref<1x64x512xf32, #tpu.memory_space<vmem>> -> memref<64x512xf32, #tpu.memory_space<vmem>>
    %dma_wait3A_171 = arith.constant 0 : i32
    %dma_wait3A_172 = tpu.memref_slice %arg4[%add3A_116, %dma_wait3A_171] : memref<16384x512xf32, #tpu.memory_space<hbm>> -> memref<64x512xf32, #tpu.memory_space<hbm>>
    %dma_wait3A_173 = tpu.memref_slice %arg8[%dma_wait3A_166] : memref<3x!tpu.dma_semaphore, #tpu.memory_space<semaphore_mem>> -> memref<1x!tpu.dma_semaphore, #tpu.memory_space<semaphore_mem>>
    %dma_wait3A_174 = tpu.memref_squeeze %dma_wait3A_173 : memref<1x!tpu.dma_semaphore, #tpu.memory_space<semaphore_mem>> -> memref<!tpu.dma_semaphore, #tpu.memory_space<semaphore_mem>>
    %dma_wait3A_175 = arith.constant 0 : i32
    %dma_wait3A_176 = tpu.memref_slice %arg4[%add3A_116, %dma_wait3A_175] : memref<16384x512xf32, #tpu.memory_space<hbm>> -> memref<64x512xf32, #tpu.memory_space<hbm>>
    %dma_wait3A_177 = arith.constant 0 : i32
    %dma_wait3A_178 = arith.constant 0 : i32
    %dma_wait3A_179 = tpu.memref_slice %arg6[%dma_wait3A_165, %dma_wait3A_177, %dma_wait3A_178] : memref<3x64x512xf32, #tpu.memory_space<vmem>> -> memref<1x64x512xf32, #tpu.memory_space<vmem>>
    %dma_wait3A_180 = tpu.memref_squeeze %dma_wait3A_179 : memref<1x64x512xf32, #tpu.memory_space<vmem>> -> memref<64x512xf32, #tpu.memory_space<vmem>>
    tpu.wait_dma2 semaphore(%dma_wait3A_174 : memref<!tpu.dma_semaphore, #tpu.memory_space<semaphore_mem>>) src(%dma_wait3A_180 : memref<64x512xf32, #tpu.memory_space<vmem>>) dst(%dma_wait3A_176 : memref<64x512xf32, #tpu.memory_space<hbm>>)
    return
  }
}

module attributes {stable_mosaic.version = 14 : i64} {
  func.func @_transform_body(%arg0: memref<246x512xf32, #tpu.memory_space<vmem>>, %arg1: memref<512x512xf32, #tpu.memory_space<vmem>>, %arg2: memref<1x512xf32, #tpu.memory_space<vmem>>, %arg3: memref<246x512xf32, #tpu.memory_space<vmem>>) attributes {dimension_semantics = [], scalar_prefetch = 0 : i64, scratch_operands = 0 : i64, tpu.core_type = #tpu.core_type<tc>} {
    %get3A = arith.constant 0 : index
    %get3A_0 = arith.constant 0 : index
    %get3A_1 = vector.load %arg0[%get3A, %get3A_0] : memref<246x512xf32, #tpu.memory_space<vmem>>, vector<246x512xf32>
    %get3A_2 = arith.constant 0 : index
    %get3A_3 = arith.constant 0 : index
    %get3A_4 = vector.load %arg1[%get3A_2, %get3A_3] : memref<512x512xf32, #tpu.memory_space<vmem>>, vector<512x512xf32>
    %dot_general3A = arith.constant dense<0.000000e+00> : vector<246x512xf32>
    %dot_general3A_5 = tpu.matmul %get3A_1, %get3A_4, %dot_general3A {dimension_numbers = #tpu.dot_dimension_numbers<[1], [1], [0], [0], [0, 0, 1, 0], [], []>, transpose_lhs_hint = false} : vector<246x512xf32>, vector<512x512xf32>, vector<246x512xf32> -> vector<246x512xf32>
    %get3A_6 = arith.constant 0 : index
    %get3A_7 = arith.constant 0 : index
    %get3A_8 = vector.load %arg2[%get3A_6, %get3A_7] : memref<1x512xf32, #tpu.memory_space<vmem>>, vector<1x512xf32>
    %add3A = vector.broadcast %get3A_8 : vector<1x512xf32> to vector<246x512xf32>
    %add3A_9 = arith.addf %dot_general3A_5, %add3A : vector<246x512xf32>
    %swap3A = arith.constant 0 : index
    %swap3A_10 = arith.constant 0 : index
    %swap3A_11 = vector.load %arg3[%swap3A, %swap3A_10] : memref<246x512xf32, #tpu.memory_space<vmem>>, vector<246x512xf32>
    tpu.vector_store %arg3[%swap3A, %swap3A_10], %add3A_9 {strides = array<i32>} : memref<246x512xf32, #tpu.memory_space<vmem>>, vector<246x512xf32>,
    return
  }
}

module attributes {stable_mosaic.version = 14 : i64} {
  func.func @_onehot_body(%arg0: i32, %arg1: memref<1x1x2048xi32, #tpu.memory_space<vmem>>, %arg2: memref<246x512xf32, #tpu.memory_space<vmem>>, %arg3: memref<16384x512xf32, #tpu.memory_space<any>>, %arg4: memref<2048x512xf32, #tpu.memory_space<vmem>>) attributes {dimension_semantics = [#tpu.dimension_semantics<arbitrary>], iteration_bounds = array<i64: 5>, scalar_prefetch = 0 : i64, scratch_operands = 0 : i64, tpu.core_type = #tpu.core_type<tc>, window_params = [{transform_indices = @transform_0, window_bounds = array<i64: 1, 1, 2048>}, {pipeline_mode = #tpu.pipeline_mode<synchronous>, transform_indices = @transform_1, window_bounds = array<i64: 246, 512>}, {}, {transform_indices = @transform_3, window_bounds = array<i64: 2048, 512>}]} {
    %get3A = arith.constant 0 : index
    %get3A_0 = arith.constant 0 : index
    %get3A_1 = arith.constant 0 : index
    %get3A_2 = vector.load %arg1[%get3A, %get3A_0, %get3A_1] : memref<1x1x2048xi32, #tpu.memory_space<vmem>>, vector<1x1x2048xi32>
    %get3A_3 = vector.shape_cast %get3A_2 : vector<1x1x2048xi32> to vector<2048xi32>
    %broadcast_in_dim3A = vector.shape_cast %get3A_3 : vector<2048xi32> to vector<2048x1xi32>
    %iota3A = tpu.iota {dimensions = array<i32: 1>} : vector<2048x246xi32>
    %eq3A = vector.broadcast %broadcast_in_dim3A : vector<2048x1xi32> to vector<2048x246xi32>
    %eq3A_4 = arith.cmpi eq, %eq3A, %iota3A : vector<2048x246xi32>
    %convert_element_type3A = arith.extui %eq3A_4 : vector<2048x246xi1> to vector<2048x246xi32>
    %convert_element_type3A_5 = arith.sitofp %convert_element_type3A : vector<2048x246xi32> to vector<2048x246xf32>
    %get3A_6 = arith.constant 0 : index
    %get3A_7 = arith.constant 0 : index
    %get3A_8 = vector.load %arg2[%get3A_6, %get3A_7] : memref<246x512xf32, #tpu.memory_space<vmem>>, vector<246x512xf32>
    %dot_general3A = arith.constant dense<0.000000e+00> : vector<2048x512xf32>
    %dot_general3A_9 = tpu.matmul %convert_element_type3A_5, %get3A_8, %dot_general3A {dimension_numbers = #tpu.dot_dimension_numbers<[1], [0], [0], [1], [0, 0, 1, 1], [], []>, transpose_lhs_hint = false} : vector<2048x246xf32>, vector<246x512xf32>, vector<2048x512xf32> -> vector<2048x512xf32>
    %swap3A = arith.constant 0 : index
    %swap3A_10 = arith.constant 0 : index
    %swap3A_11 = vector.load %arg4[%swap3A, %swap3A_10] : memref<2048x512xf32, #tpu.memory_space<vmem>>, vector<2048x512xf32>
    tpu.vector_store %arg4[%swap3A, %swap3A_10], %dot_general3A_9 {strides = array<i32>} : memref<2048x512xf32, #tpu.memory_space<vmem>>, vector<2048x512xf32>,
    return
  }
  func.func @transform_0(%arg0: i32) -> (i32, i32, i32) {
    %add3A = arith.constant 3 : i32
    %add3A_0 = arith.addi %add3A, %arg0 : i32
    %c0_i32 = arith.constant 0 : i32
    %c0_i32_1 = arith.constant 0 : i32
    %c0_i32_2 = arith.constant 0 : i32
    return %add3A_0, %c0_i32, %c0_i32_1 : i32, i32, i32
  }
  func.func @transform_1(%arg0: i32) -> (i32, i32) {
    %c0_i32 = arith.constant 0 : i32
    %c0_i32_0 = arith.constant 0 : i32
    %c0_i32_1 = arith.constant 0 : i32
    return %c0_i32, %c0_i32_0 : i32, i32
  }
  func.func @transform_3(%arg0: i32) -> (i32, i32) {
    %add3A = arith.constant 3 : i32
    %add3A_0 = arith.addi %add3A, %arg0 : i32
    %c0_i32 = arith.constant 0 : i32
    %c0_i32_1 = arith.constant 0 : i32
    return %add3A_0, %c0_i32 : i32, i32
  }
}

</mosaic_0001>

<sc_bundles>
// kernel: kernel.5.cloned.1.call-start
scs
__scs_entry_jumppad:
0x0: {  	(pc) =	sbr.rel $0x88, $3  }
0x1: {  	(tag) =	ssettag $0x0;
	lr =	simm.s32 $0x1  }
0x2: {  	[smem:$0x3F9D] =	sst lr;
	_ =	strace $0xD0000000  }
0x3: {  	_ = 	snop  }
0x4: {  	_ = 	snop  }
0x5: {  	_ = 	snop  }
0x6: {  	_ = 	snop  }
0x7: {  	_ = 	snop  }
__scs_overlays_trampoline_lowered:
0x8: {  	[smem:$0x3FAC] =	sst s0  }
0x9: {  	[smem:$0x3FAD] =	sst s1  }
0xa: {  	[smem:$0x3FAE] =	sst s2  }
0xb: {  	[smem:$0x3FAF] =	sst s3  }
0xc: {  	[smem:$0x3FB0] =	sst s4  }
0xd: {  	[smem:$0x3FB1] =	sst s5  }
0xe: {  	[smem:$0x3FB2] =	sst s6  }
0xf: {  	[smem:$0x3FB3] =	sst s7  }
0x10: {  	[smem:$0x3FB4] =	sst s8  }
0x11: {  	[smem:$0x3FB5] =	sst s9;
	s0 =	simm.s32 @!p0 $0x0  }
0x12: {  	s1 =	sld [smem:$0x3F9B];
	s0 =	simm.s32 @p0 $0x1  }
0x13: {  	[smem:$0x3FB6] =	sst s0;
	s0 =	simm.s32 @!p1 $0x0  }
0x14: {  	s2 =	sld [smem:$0x3F9A];
	s0 =	simm.s32 @p1 $0x1  }
0x15: {  	[smem:$0x3FB7] =	sst s0;
	s0 =	simm.s32 @!p2 $0x0  }
0x16: {  	s3 =	sld [smem:$0x3FDB];
	s0 =	simm.s32 @p2 $0x1  }
0x17: {  	s4 =	simm.s32 $0x1BF5;
	[smem:$0x3FB9] =	sst s0  }
0x18: {  	s0 =	sld [smem:$0x3F9C];
	_ =	swait.ge [sflag:s4], $0x0  }
0x19: {  	s7 =	sld [smem:$0x3F9D]  }
0x1a: {  	s8 =	sadd.s32 $0xFFFFE003, lr  }
0x1b: {  	s9 =	sadd.s32 $0xFFFFFEF7, lr;
	s5 =	simm.s32 $0xFFFFFFFF;
	p2 =	slt.u32 s8, $0xFFFFF086  }
0x1c: {  	p1 =	slt.u32 s9, $0xF7A;
	s5 =	simm.s32 @!p2 $0x0  }
0x1d: {  	s5 =	simm.s32 @p1 $0x1;
	p0 =	seq.s32 s7, s2  }
0x1e: {  	s7 =	smul.u32 @!p0 $0xF7A, s2;
	p2 =	seq.s32 @!p0 s5, $0x0  }
0x1f: {  	s9 =	smul.u32 $0xF7A, s1;
	s8 =	simm.s32 @!p0 $0x1BF5;
	p2 =	por !p2, p0  }
0x20: {  	[sflag:s8] =	ssyncset.s32 @!p0 $0xFFFFF086;
	s6 =	sadd.s32 @!p0 s3, s7;
	s7 =	simm.s32 @!p0 $0x108  }
0x21: {  	s3 =	sadd.s32 s3, s9;
	s6 =	sadd.s32 @!p0 $0x88, s6;
	s7 =	simm.s32 @p2 $0x1082  }
0x22: {  	[simem:s7], [sflag:s8] =	dma.local @!p0 [hbm:s6], $0xF7A  }
0x23: {  	s9 =	sor.u32 $0xD0000000, s2;
	s6 =	simm.s32 $0x108;
	_ =	swait.ge @!p0 [sflag:s8], $0x0  }
0x24: {  	s3 =	sadd.s32 $0x88, s3;
	s6 =	simm.s32 @!p1 $0x1082;
	[sflag:s4] =	ssyncset.s32 $0xFFFFF086  }
0x25: {  	[simem:s6], [sflag:s4] =	dma.local [hbm:s3], $0xF7A  }
0x26: {  	[smem:$0x3F9D] =	sst s1;
	(tag) =	ssettag s2;
	_ =	strace s9  }
0x27: {  	s1 =	sld [smem:$0x3FAD]  }
0x28: {  	s2 =	sld [smem:$0x3FAE]  }
0x29: {  	s4 =	sld [smem:$0x3FB0]  }
0x2a: {  	p0 =	seq.s32 s5, $0x0;
	s5 =	sld [smem:$0x3FB1]  }
0x2b: {  	s6 =	sld [smem:$0x3FB2]  }
0x2c: {  	s7 =	sld [smem:$0x3FB3]  }
0x2d: {  	s3 =	simm.s32 $0x108;
	s8 =	sld [smem:$0x3FB4]  }
0x2e: {  	s3 =	simm.s32 @!p0 $0x1082;
	s9 =	sld [smem:$0x3FB5]  }
0x2f: {  	lr =	sadd.s32 s0, s3;
	s0 =	sld [smem:$0x3FAC]  }
0x30: {  	s3 =	sld [smem:$0x3FAF]  }
0x31: {  	[smem:$0x3FB8] =	sst s10  }
0x32: {  	s10 =	sld [smem:$0x3FB6];
	_ =	sdelay $0x3  }
0x33: {  	p0 =	seq.s32 s10, $0x1;
	s10 =	sld [smem:$0x3FB8];
	_ =	sdelay $0x3  }
0x34: {  	[smem:$0x3FB8] =	sst s10  }
0x35: {  	s10 =	sld [smem:$0x3FB7];
	_ =	sdelay $0x3  }
0x36: {  	p1 =	seq.s32 s10, $0x1;
	s10 =	sld [smem:$0x3FB8];
	_ =	sdelay $0x3  }
0x37: {  	[smem:$0x3FB8] =	sst s10  }
0x38: {  	s10 =	sld [smem:$0x3FB9]  }
0x39: {  	_ = 	snop;
	(pc) =	sbr.ind lr, $3  }
0x3a: {  	_ = 	snop  }
0x3b: {  	_ = 	snop  }
0x3c: {  	p2 =	seq.s32 s10, $0x1;
	s10 =	sld [smem:$0x3FB8]  }
0x3d: {  	_ =	shalt  }
0x3e: {  	_ =	shalt  }
0x3f: {  	_ =	shalt  }
0x40: {  	_ =	shalt  }
0x41: {  	_ =	shalt  }
0x42: {  	_ =	shalt  }
0x43: {  	_ =	shalt  }
0x44: {  	_ =	shalt  }
0x45: {  	_ =	shalt  }
0x46: {  	_ =	shalt  }
0x47: {  	_ =	shalt  }
0x48: {  	_ =	shalt  }
0x49: {  	_ =	shalt  }
0x4a: {  	_ =	shalt  }
0x4b: {  	_ =	shalt  }
0x4c: {  	_ =	shalt  }
0x4d: {  	_ =	shalt  }
0x4e: {  	_ =	shalt  }
0x4f: {  	_ =	shalt  }
0x50: {  	_ =	shalt  }
0x51: {  	_ =	shalt  }
0x52: {  	_ =	shalt  }
0x53: {  	_ =	shalt  }
0x54: {  	_ =	shalt  }
0x55: {  	_ =	shalt  }
0x56: {  	_ =	shalt  }
0x57: {  	_ =	shalt  }
0x58: {  	_ =	shalt  }
0x59: {  	_ =	shalt  }
0x5a: {  	_ =	shalt  }
0x5b: {  	_ =	shalt  }
0x5c: {  	_ =	shalt  }
0x5d: {  	_ =	shalt  }
0x5e: {  	_ =	shalt  }
0x5f: {  	_ =	shalt  }
0x60: {  	_ =	shalt  }
0x61: {  	_ =	shalt  }
0x62: {  	_ =	shalt  }
0x63: {  	_ =	shalt  }
0x64: {  	_ =	shalt  }
0x65: {  	_ =	shalt  }
0x66: {  	_ =	shalt  }
0x67: {  	_ =	shalt  }
0x68: {  	_ =	shalt  }
0x69: {  	_ =	shalt  }
0x6a: {  	_ =	shalt  }
0x6b: {  	_ =	shalt  }
0x6c: {  	_ =	shalt  }
0x6d: {  	_ =	shalt  }
0x6e: {  	_ =	shalt  }
0x6f: {  	_ =	shalt  }
0x70: {  	_ =	shalt  }
0x71: {  	_ =	shalt  }
0x72: {  	_ =	shalt  }
0x73: {  	_ =	shalt  }
0x74: {  	_ =	shalt  }
0x75: {  	_ =	shalt  }
0x76: {  	_ =	shalt  }
0x77: {  	_ =	shalt  }
0x78: {  	_ =	shalt  }
0x79: {  	_ =	shalt  }
0x7a: {  	_ =	shalt  }
0x7b: {  	_ =	shalt  }
0x7c: {  	_ =	shalt  }
0x7d: {  	_ =	shalt  }
0x7e: {  	_ =	shalt  }
0x7f: {  	_ =	shalt  }
0x80: {  	_ =	shalt  }
0x81: {  	_ =	shalt  }
0x82: {  	_ =	shalt  }
0x83: {  	_ =	shalt  }
0x84: {  	_ =	shalt  }
0x85: {  	_ =	shalt  }
0x86: {  	_ =	shalt  }
0x87: {  	_ =	shalt  }
.Lfunc_end0:
.L_simem_size_0:
called_computation_lowered:
.L_overlay_start_0:
0x88: {  	s2 =	sld [smem:$0x3FD9]  }
0x89: {  	s3 =	sld [smem:$0x3FFE];
	_ =	sdelay $0x1  }
0x8a: {  	s1 =	srdreg.scid  }
0x8b: {  	s0 =	sand.u32 $0x1, s1  }
0x8c: {  	s17 =	sshll.u32 s0, $0xA;
	s2 =	sadd.s32 s3, s2  }
0x8d: {  	s2 =	sadd.s32 s2, s17  }
0x8e: {  	[smem:$0x3FC4] =	sst s2  }
0x8f: {  	_ = 	snop  }
0x90: {  	s2 =	sld [smem:$0x3FC9]  }
0x91: {  	s18 =	sld [smem:$0x3FD0];
	(tm) =	ssettm $0x1  }
0x92: {  	s4 =	sld [smem:$0x3FFB];
	_ =	sdelay $0x3  }
0x93: {  	_ =	strace s4  }
0x94: {  	s4 =	sld [smem:$0x3FFC];
	_ =	sdelay $0x3  }
0x95: {  	_ =	strace s4  }
0x96: {  	s4 =	sld [smem:$0x3FFD];
	_ =	sdelay $0x3  }
0x97: {  	_ =	strace s4  }
0x98: {  	_ =	strace $0x8FFFFFFF  }
0x99: {  	s19 =	sld [smem:$0x3FDB];
	_ =	sdelay $0x1  }
0x9a: {  	s5 =	simm.s32 $_scs_section_size  }
0x9b: {  	s6 =	simm.s32 $_size__tile_overlayer_lowered;
	s7 =	simm.s32 $_tile_overlayer_lowered  }
0x9c: {  	s22 =	simm.s32 $0x1BFF;
	s21 =	sshll.u32 s7, $0x1;
	s4 =	sadd.s32 s5, s19  }
0x9d: {  	s8 =	simm.s32 $0x0;
	s20 =	sshll.u32 s6, $0x1;
	s6 =	sadd.s32 s21, s4  }
0x9e: {  	[timem:s8], [sflag:s22] =	dma.local [hbm:s6], s20  }
0x9f: {  	_ =	swait.ge [sflag:s22], s20  }
0xa0: {  	s5 =	ssub.s32 $0x0, s20;
	[sflag:s22] =	ssyncset.done $0x0  }
0xa1: {  	[sflag:s22] =	ssyncadd.s32 s5;
	_ =	sdelay $0x1  }
0xa2: {  	s23 =	simm.s32 $0x1B8B  }
0xa3: {  	_ =	swait.ge [sflag:s23], $0x1  }
0xa4: {  	[sflag:s23] =	ssyncset.done $0x0  }
0xa5: {  	s25 =	simm.s32 $0x1B8E;
	s24 =	sld [smem:$0x3FFE];
	[sflag:s23] =	ssyncadd.s32 $0xFFFFFFFF  }
0xa6: {  	s26 =	simm.s32 $execute0_lowered;
	[smem:$0x3FD2] =	sst s25  }
0xa7: {  	s6 =	sshll.u32 s26, $0x1;
	_ =	strace $0x80000046;
	[dreg:$0x1] =	wrdreg $0xFFFFFFFF  }
0xa8: {  	s28 =	simm.s32 $_size_execute0_lowered;
	s4 =	sadd.s32 s4, s6;
	[dreg:$0x0] =	wrdreg $0x0  }
0xa9: {  	s6 =	sshll.u32 s28, $0x1;
	[dreg:$0x2] =	wrdreg s4  }
0xaa: {  	[dreg:$0x3] =	wrdreg s6  }
0xab: {  	[dreg:$0x4] =	wrdreg $0xC0  }
0xac: {  	_ =	task [dreg:s8], $0x5FFFF  }
0xad: {  	[dreg:$0x1] =	wrdreg $0xFFFFFFFF  }
0xae: {  	[dreg:$0x0] =	wrdreg $0x60  }
0xaf: {  	[dreg:$0x2] =	wrdreg s24  }
0xb0: {  	[dreg:$0x3] =	wrdreg s2  }
0xb1: {  	[dreg:$0x4] =	wrdreg s18  }
0xb2: {  	[dreg:$0x5] =	wrdreg $0x9  }
0xb3: {  	_ =	task.clear_ibuf [dreg:s8], $0x6FFFF;
	_ =	strace $0x90000046  }
0xb4: {  	s29 =	simm.s32 $0x9;
	_ =	strace $0x80000048  }
0xb5: {  	_ =	swait.ge [sflag:s29], $0x1  }
0xb6: {  	[sflag:s29] =	ssyncadd.s32 $0xFFFFFFFF  }
0xb7: {  	_ =	strace $0x90000048  }
0xb8: {  	_ =	sfence  }
0xb9: {  	s30 =	sld [smem:$0x0];
	_ =	sdelay $0x2  }
0xba: {  	s31 =	sshll.u32 s1, $0xD;
	s1 =	sshrl.u32 s1, $0x2  }
0xbb: {  	s3 =	sand.u32 $0x4000, s31;
	s1 =	sadd.s32 s1, s30  }
0xbc: {  	s0 =	sor.u32 s3, s0;
	s1 =	sshll.u32 s1, $0x11  }
0xbd: {  	s0 =	sor.u32 s1, s0  }
0xbe: {  	s0 =	sadd.s32 $0x8F2B, s0  }
0xbf: {  	[sflag:s0] =	ssyncadd.remote.s32 $0x1  }
0xc0: {  	_ =	sfence.sel $0xFFFF  }
0xc1: {  	[dreg:$0x0] =	wrdreg $0xFFFFFFFF;
	(pc) =	sbr.abs _section_cstart, $3  }
0xc2: {  	[dreg:$0x1] =	wrdreg $0xFFFFFFFF  }
0xc3: {  	_ =	task.clear_ibuf [dreg:s8], $0x2FFFF;
	_ =	strace $0x9FFFFFFF  }
0xc4: {  	(tm) =	ssettm $0x7FFFFFFF  }
0xc5: {  	_ =	shalt  }
tec
execute0_lowered:
.L_overlay_start_1:
0x0: {  	(tag) =	ssettag $0x1  }
0x1: {  	s1 =	rddreg [dreg:$0x0]  }
0x2: {  	s2 =	srdreg.scid;
	s3 =	rddreg [dreg:$0x1]  }
0x3: {  	s6 =	rddreg [dreg:$0x2];
	s4 =	sand.u32 $0x1, s2;
	s2 =	simm.s32 $0x0  }
0x4: {  	s20 =	simm.s32 $0x900;
	[smem:$0x7FF] =	sst s2  }
0x5: {  	s21 =	simm.s32 $0x1100;
	_ =	strace $0x80000047;
	[dreg:$0x8] =	wrdreg s20  }
0x6: {  	s22 =	simm.s32 $0x1900;
	[dreg:$0x9] =	wrdreg s21  }
0x7: {  	s23 =	simm.s32 $0x2100;
	[dreg:$0xa] =	wrdreg s22  }
0x8: {  	s24 =	simm.s32 $0x2900;
	[dreg:$0xb] =	wrdreg s23  }
0x9: {  	s0 =	stileid.u32;
	s25 =	simm.s32 $0x3100;
	[dreg:$0xc] =	wrdreg s24  }
0xa: {  	s26 =	simm.s32 $0x3900;
	s9 =	simm.s32 $0x6900;
	[dreg:$0xd] =	wrdreg s25  }
0xb: {  	s14 =	sshll.u32 s0, $0x1;
	s0 =	simm.s32 $0x4100;
	[dreg:$0xe] =	wrdreg s26  }
0xc: {  	s10 =	simm.s32 $0x7100;
	s11 =	simm.s32 $0x7900;
	[dreg:$0xf] =	wrdreg s0  }
0xd: {  	s12 =	simm.s32 $0x8900;
	s13 =	simm.s32 $0x9100;
	[dreg:$0x14] =	wrdreg s9  }
0xe: {  	s28 =	simm.s32 $0x2;
	s29 =	simm.s32 $0x3;
	[dreg:$0x15] =	wrdreg s10  }
0xf: {  	s30 =	simm.s32 $0x4;
	s31 =	simm.s32 $0x5;
	[dreg:$0x16] =	wrdreg s11  }
0x10: {  	s5 =	sor.u32 s4, s14;
	s14 =	simm.s32 $0x9900;
	[dreg:$0x17] =	wrdreg s12  }
0x11: {  	s4 =	ssub.s32 $0x2, s4;
	s7 =	smul.u32 $0x18, s5;
	[dreg:$0x18] =	wrdreg s13  }
0x12: {  	s8 =	smul.u32 $0x18000, s5;
	[dreg:$0x19] =	wrdreg s14;
	s20 =	simm.s32 $0xC100  }
0x13: {  	s5 =	smul.u32 $0x3000, s5;
	s21 =	simm.s32 $0xC900;
	[dreg:$0x1e] =	wrdreg s20  }
0x14: {  	s22 =	simm.s32 $0xD100;
	s23 =	simm.s32 $0xD900;
	[dreg:$0x1f] =	wrdreg s21  }
0x15: {  	s24 =	simm.s32 $0xE100;
	s25 =	simm.s32 $0xE900;
	[smem:$0x7F9] =	sst s22  }
0x16: {  	s26 =	simm.s32 $0xF100;
	s10 =	simm.s32 $0x10100;
	[smem:$0x7FA] =	sst s23  }
0x17: {  	s11 =	simm.s32 $0x10900;
	s12 =	simm.s32 $0x11100;
	[smem:$0x7FB] =	sst s24  }
0x18: {  	s13 =	simm.s32 $0x11900;
	s14 =	simm.s32 $0x12100;
	[smem:$0x7FC] =	sst s25  }
0x19: {  	[smem:$0x7FD] =	sst s26;
	s20 =	simm.s32 $0x15100;
	s21 =	simm.s32 $0x15900  }
0x1a: {  	s22 =	simm.s32 $0x16100;
	s23 =	simm.s32 $0x16900;
	s3 =	sadd.s32 s3, s7  }
0x1b: {  	s24 =	simm.s32 $0x17100;
	s16 =	sadd.s32 s6, s5;
	[dreg:$0x4] =	wrdreg s3  }
0x1c: {  	s25 =	simm.s32 $0x17900;
	s5 =	simm.s32 $0x4900;
	[dreg:$0x5] =	wrdreg s16  }
0x1d: {  	s26 =	simm.s32 $0x1;
	s7 =	simm.s32 $0x5900;
	[dreg:$0x10] =	wrdreg s5  }
0x1e: {  	s15 =	sshrl.u32 s8, $0x3;
	s8 =	simm.s32 $0x6100;
	[dreg:$0x12] =	wrdreg s7  }
0x1f: {  	s17 =	sadd.s32 s6, s15;
	s6 =	simm.s32 $0x5100;
	[dreg:$0x13] =	wrdreg s8  }
0x20: {  	s15 =	simm.s32 $0xA100;
	s16 =	simm.s32 $0xA900;
	[dreg:$0x11] =	wrdreg s6  }
0x21: {  	s3 =	sadd.s32 $0x1000, s1;
	s7 =	simm.s32 $0x100;
	[dreg:$0x1a] =	wrdreg s15  }
0x22: {  	s8 =	simm.s32 $0x8100;
	s18 =	sadd.s32 $0x1000, s17;
	[dreg:$0x1b] =	wrdreg s16  }
0x23: {  	s19 =	sadd.s32 $0x2000, s17;
	s17 =	simm.s32 $0xB100;
	[dreg:$0x6] =	wrdreg s18  }
0x24: {  	s15 =	simm.s32 $0x12900;
	s16 =	simm.s32 $0x13100;
	[dreg:$0x7] =	wrdreg s19  }
0x25: {  	[dreg:$0x1c] =	wrdreg s17;
	s18 =	simm.s32 $0xB900;
	s19 =	sshrl.u32 s4, $0x1  }
0x26: {  	v2 =	vlaneseq.u32;
	s17 =	simm.s32 $0x13900;
	[dreg:$0x1d] =	wrdreg s18;
	s6 =	ssub.s32 s4, s19  }
0x27: {  	vm0 =	vmmov $0xffff;
	v1 =	vshrl.u32 v2, $0x3;
	s4 =	sadd.s32 $0x1100, s1;
	s18 =	simm.s32 $0x14100;
	s19 =	simm.s32 $0x14900  }
0x28: {  	v0 =	vand.u32 $0x7, v2;
	v2 =	vor.u32 $0x8, v2;
	v1 =	vmul.u32 $0x8, v1;
	s1 =	simm.s32 $0x6;
	s5 =	smax.u32 s6, $0x1;
	s6 =	simm.s32 $0x7  }
.LBB2_1:
0x29: {  	s0 =	rddreg [dreg:$0x4]  }
0x2a: {  	[tilespmem:s2], [sflag:$0x7] =	stream.linear.gather [hbm4b:s0+s2], $0xC0, $0x38;
	[tilespmem:$0x18100] =	vst v63  }
0x2b: {  	_ =	swait.ge [sflag:s6], $0xC0  }
0x2c: {  	[sflag:s6] =	ssyncset.done $0x0  }
0x2d: {  	[sflag:s6] =	ssyncadd.s32 $0xFFFFFF40  }
0x2e: {  	v3 =	vld [tilespmem:$0x0];
	_ =	sdelay $0x4  }
0x2f: {  	v4 =	vshll.u32 v3, $0x2  }
0x30: {  	v3 =	vand.u32 $0x7, v3;
	v4 =	vand.u32 $0xFFFFFFE0, v4  }
0x31: {  	v3 =	vor.u32 v3, v4  }
0x32: {  	v4 =	vperm.xlane v3, v0;
	_ =	sdelay $0x1  }
0x33: {  	v4 =	vadd.s32 v1, v4;
	_ =	sdelay $0x1  }
0x34: {  	v3 =	vperm.xlane v3, v2;
	_ =	sdelay $0x1  }
0x35: {  	v3 =	vadd.s32 v1, v3  }
0x36: {  	[tilespmem:s7], [sflag:$0x1] =	stream.indirect_vreg.gather [hbm4b:s3+s2], $0x80, v4, vm0, $0xb8;
	[tilespmem:$0x18100] =	vst v63  }
0x37: {  	s0 =	rddreg [dreg:$0x8]  }
0x38: {  	[tilespmem:s0], [sflag:$0x1] =	stream.indirect_vreg.gather [hbm4b:s4+s2], $0x80, v4, vm0, $0xb8;
	[tilespmem:$0x18100] =	vst v63  }
0x39: {  	s9 =	rddreg [dreg:$0x9]  }
0x3a: {  	[tilespmem:s9], [sflag:$0x1] =	stream.indirect_vreg.gather [hbm4b:s3+s2], $0x80, v3, vm0, $0xb8;
	[tilespmem:$0x18100] =	vst v63  }
0x3b: {  	s0 =	rddreg [dreg:$0xa]  }
0x3c: {  	[tilespmem:s0], [sflag:$0x1] =	stream.indirect_vreg.gather [hbm4b:s4+s2], $0x80, v3, vm0, $0xb8;
	[tilespmem:$0x18100] =	vst v63  }
0x3d: {  	v3 =	vld [tilespmem:$0x10];
	_ =	sdelay $0x4  }
0x3e: {  	v53 =	vshll.u32 v3, $0x2  }
0x3f: {  	v3 =	vand.u32 $0x7, v3;
	v4 =	vand.u32 $0xFFFFFFE0, v53  }
0x40: {  	v3 =	vor.u32 v3, v4  }
0x41: {  	v4 =	vperm.xlane v3, v0;
	_ =	sdelay $0x1  }
0x42: {  	v4 =	vadd.s32 v1, v4;
	_ =	sdelay $0x1  }
0x43: {  	v3 =	vperm.xlane v3, v2;
	_ =	sdelay $0x1  }
0x44: {  	s0 =	rddreg [dreg:$0xb];
	v3 =	vadd.s32 v1, v3  }
0x45: {  	[tilespmem:s0], [sflag:$0x1] =	stream.indirect_vreg.gather [hbm4b:s3+s2], $0x80, v4, vm0, $0xb8;
	[tilespmem:$0x18100] =	vst v63  }
0x46: {  	s9 =	rddreg [dreg:$0xc]  }
0x47: {  	[tilespmem:s9], [sflag:$0x1] =	stream.indirect_vreg.gather [hbm4b:s4+s2], $0x80, v4, vm0, $0xb8;
	[tilespmem:$0x18100] =	vst v63  }
0x48: {  	s0 =	rddreg [dreg:$0xd]  }
0x49: {  	[tilespmem:s0], [sflag:$0x1] =	stream.indirect_vreg.gather [hbm4b:s3+s2], $0x80, v3, vm0, $0xb8;
	[tilespmem:$0x18100] =	vst v63  }
0x4a: {  	s9 =	rddreg [dreg:$0xe]  }
0x4b: {  	[tilespmem:s9], [sflag:$0x1] =	stream.indirect_vreg.gather [hbm4b:s4+s2], $0x80, v3, vm0, $0xb8;
	[tilespmem:$0x18100] =	vst v63  }
0x4c: {  	v3 =	vld [tilespmem:$0x20];
	_ =	sdelay $0x4  }
0x4d: {  	v54 =	vshll.u32 v3, $0x2  }
0x4e: {  	v3 =	vand.u32 $0x7, v3;
	v4 =	vand.u32 $0xFFFFFFE0, v54  }
0x4f: {  	v3 =	vor.u32 v3, v4  }
0x50: {  	v4 =	vperm.xlane v3, v0;
	_ =	sdelay $0x1  }
0x51: {  	v4 =	vadd.s32 v1, v4;
	_ =	sdelay $0x1  }
0x52: {  	v3 =	vperm.xlane v3, v2;
	_ =	sdelay $0x1  }
0x53: {  	s0 =	rddreg [dreg:$0xf];
	v3 =	vadd.s32 v1, v3  }
0x54: {  	[tilespmem:s0], [sflag:$0x1] =	stream.indirect_vreg.gather [hbm4b:s3+s2], $0x80, v4, vm0, $0xb8;
	[tilespmem:$0x18100] =	vst v63  }
0x55: {  	s9 =	rddreg [dreg:$0x10]  }
0x56: {  	[tilespmem:s9], [sflag:$0x1] =	stream.indirect_vreg.gather [hbm4b:s4+s2], $0x80, v4, vm0, $0xb8;
	[tilespmem:$0x18100] =	vst v63  }
0x57: {  	s0 =	rddreg [dreg:$0x11]  }
0x58: {  	[tilespmem:s0], [sflag:$0x1] =	stream.indirect_vreg.gather [hbm4b:s3+s2], $0x80, v3, vm0, $0xb8;
	[tilespmem:$0x18100] =	vst v63  }
0x59: {  	s9 =	rddreg [dreg:$0x12]  }
0x5a: {  	[tilespmem:s9], [sflag:$0x1] =	stream.indirect_vreg.gather [hbm4b:s4+s2], $0x80, v3, vm0, $0xb8;
	[tilespmem:$0x18100] =	vst v63  }
0x5b: {  	v3 =	vld [tilespmem:$0x30];
	_ =	sdelay $0x4  }
0x5c: {  	v55 =	vshll.u32 v3, $0x2  }
0x5d: {  	v3 =	vand.u32 $0x7, v3;
	v4 =	vand.u32 $0xFFFFFFE0, v55  }
0x5e: {  	v3 =	vor.u32 v3, v4  }
0x5f: {  	v4 =	vperm.xlane v3, v0;
	_ =	sdelay $0x1  }
0x60: {  	v4 =	vadd.s32 v1, v4;
	_ =	sdelay $0x1  }
0x61: {  	v3 =	vperm.xlane v3, v2;
	_ =	sdelay $0x1  }
0x62: {  	s0 =	rddreg [dreg:$0x13];
	v3 =	vadd.s32 v1, v3  }
0x63: {  	[tilespmem:s0], [sflag:$0x1] =	stream.indirect_vreg.gather [hbm4b:s3+s2], $0x80, v4, vm0, $0xb8;
	[tilespmem:$0x18100] =	vst v63  }
0x64: {  	s9 =	rddreg [dreg:$0x14]  }
0x65: {  	[tilespmem:s9], [sflag:$0x1] =	stream.indirect_vreg.gather [hbm4b:s4+s2], $0x80, v4, vm0, $0xb8;
	[tilespmem:$0x18100] =	vst v63  }
0x66: {  	s0 =	rddreg [dreg:$0x15]  }
0x67: {  	[tilespmem:s0], [sflag:$0x1] =	stream.indirect_vreg.gather [hbm4b:s3+s2], $0x80, v3, vm0, $0xb8;
	[tilespmem:$0x18100] =	vst v63  }
0x68: {  	s9 =	rddreg [dreg:$0x16]  }
0x69: {  	[tilespmem:s9], [sflag:$0x1] =	stream.indirect_vreg.gather [hbm4b:s4+s2], $0x80, v3, vm0, $0xb8;
	[tilespmem:$0x18100] =	vst v63  }
0x6a: {  	v3 =	vld [tilespmem:$0x40];
	_ =	sdelay $0x4  }
0x6b: {  	v56 =	vshll.u32 v3, $0x2  }
0x6c: {  	v3 =	vand.u32 $0x7, v3;
	v4 =	vand.u32 $0xFFFFFFE0, v56  }
0x6d: {  	v3 =	vor.u32 v3, v4  }
0x6e: {  	v4 =	vperm.xlane v3, v0;
	_ =	sdelay $0x1  }
0x6f: {  	v4 =	vadd.s32 v1, v4;
	_ =	sdelay $0x1  }
0x70: {  	v3 =	vperm.xlane v3, v2;
	_ =	sdelay $0x1  }
0x71: {  	v3 =	vadd.s32 v1, v3  }
0x72: {  	[tilespmem:s8], [sflag:$0x2] =	stream.indirect_vreg.gather [hbm4b:s3+s2], $0x80, v4, vm0, $0xb8;
	[tilespmem:$0x18100] =	vst v63  }
0x73: {  	s0 =	rddreg [dreg:$0x17]  }
0x74: {  	[tilespmem:s0], [sflag:$0x2] =	stream.indirect_vreg.gather [hbm4b:s4+s2], $0x80, v4, vm0, $0xb8;
	[tilespmem:$0x18100] =	vst v63  }
0x75: {  	s9 =	rddreg [dreg:$0x18]  }
0x76: {  	[tilespmem:s9], [sflag:$0x2] =	stream.indirect_vreg.gather [hbm4b:s3+s2], $0x80, v3, vm0, $0xb8;
	[tilespmem:$0x18100] =	vst v63  }
0x77: {  	s0 =	rddreg [dreg:$0x19]  }
0x78: {  	[tilespmem:s0], [sflag:$0x2] =	stream.indirect_vreg.gather [hbm4b:s4+s2], $0x80, v3, vm0, $0xb8;
	[tilespmem:$0x18100] =	vst v63  }
0x79: {  	v3 =	vld [tilespmem:$0x50];
	_ =	sdelay $0x4  }
0x7a: {  	v57 =	vshll.u32 v3, $0x2  }
0x7b: {  	v3 =	vand.u32 $0x7, v3;
	v4 =	vand.u32 $0xFFFFFFE0, v57  }
0x7c: {  	v3 =	vor.u32 v3, v4  }
0x7d: {  	v4 =	vperm.xlane v3, v0;
	_ =	sdelay $0x1  }
0x7e: {  	v4 =	vadd.s32 v1, v4;
	_ =	sdelay $0x1  }
0x7f: {  	v3 =	vperm.xlane v3, v2;
	_ =	sdelay $0x1  }
0x80: {  	s0 =	rddreg [dreg:$0x1a];
	v3 =	vadd.s32 v1, v3  }
0x81: {  	[tilespmem:s0], [sflag:$0x2] =	stream.indirect_vreg.gather [hbm4b:s3+s2], $0x80, v4, vm0, $0xb8;
	[tilespmem:$0x18100] =	vst v63  }
0x82: {  	s9 =	rddreg [dreg:$0x1b]  }
0x83: {  	[tilespmem:s9], [sflag:$0x2] =	stream.indirect_vreg.gather [hbm4b:s4+s2], $0x80, v4, vm0, $0xb8;
	[tilespmem:$0x18100] =	vst v63  }
0x84: {  	s0 =	rddreg [dreg:$0x1c]  }
0x85: {  	[tilespmem:s0], [sflag:$0x2] =	stream.indirect_vreg.gather [hbm4b:s3+s2], $0x80, v3, vm0, $0xb8;
	[tilespmem:$0x18100] =	vst v63  }
0x86: {  	s9 =	rddreg [dreg:$0x1d]  }
0x87: {  	[tilespmem:s9], [sflag:$0x2] =	stream.indirect_vreg.gather [hbm4b:s4+s2], $0x80, v3, vm0, $0xb8;
	[tilespmem:$0x18100] =	vst v63  }
0x88: {  	v3 =	vld [tilespmem:$0x60];
	_ =	sdelay $0x4  }
0x89: {  	v58 =	vshll.u32 v3, $0x2  }
0x8a: {  	v3 =	vand.u32 $0x7, v3;
	v4 =	vand.u32 $0xFFFFFFE0, v58  }
0x8b: {  	v3 =	vor.u32 v3, v4  }
0x8c: {  	v4 =	vperm.xlane v3, v0;
	_ =	sdelay $0x1  }
0x8d: {  	v4 =	vadd.s32 v1, v4;
	_ =	sdelay $0x1  }
0x8e: {  	v3 =	vperm.xlane v3, v2  }
0x8f: {  	s0 =	rddreg [dreg:$0x1e]  }
0x90: {  	s9 =	rddreg [dreg:$0x1f];
	v3 =	vadd.s32 v1, v3  }
0x91: {  	[tilespmem:s0], [sflag:$0x2] =	stream.indirect_vreg.gather [hbm4b:s3+s2], $0x80, v4, vm0, $0xb8;
	[tilespmem:$0x18100] =	vst v63  }
0x92: {  	s0 =	sld [smem:$0x7F9]  }
0x93: {  	[tilespmem:s9], [sflag:$0x2] =	stream.indirect_vreg.gather [hbm4b:s4+s2], $0x80, v4, vm0, $0xb8;
	[tilespmem:$0x18100] =	vst v63  }
0x94: {  	s9 =	sld [smem:$0x7FA]  }
0x95: {  	[tilespmem:s0], [sflag:$0x2] =	stream.indirect_vreg.gather [hbm4b:s3+s2], $0x80, v3, vm0, $0xb8;
	[tilespmem:$0x18100] =	vst v63  }
0x96: {  	_ = 	snop  }
0x97: {  	[tilespmem:s9], [sflag:$0x2] =	stream.indirect_vreg.gather [hbm4b:s4+s2], $0x80, v3, vm0, $0xb8;
	[tilespmem:$0x18100] =	vst v63  }
0x98: {  	v3 =	vld [tilespmem:$0x70];
	_ =	sdelay $0x4  }
0x99: {  	v59 =	vshll.u32 v3, $0x2  }
0x9a: {  	v3 =	vand.u32 $0x7, v3;
	v4 =	vand.u32 $0xFFFFFFE0, v59  }
0x9b: {  	v3 =	vor.u32 v3, v4  }
0x9c: {  	v4 =	vperm.xlane v3, v0;
	_ =	sdelay $0x1  }
0x9d: {  	v4 =	vadd.s32 v1, v4;
	_ =	sdelay $0x1  }
0x9e: {  	s0 =	sld [smem:$0x7FB];
	v3 =	vperm.xlane v3, v2;
	_ =	sdelay $0x1  }
0x9f: {  	s9 =	sld [smem:$0x7FC];
	v3 =	vadd.s32 v1, v3  }
0xa0: {  	[tilespmem:s0], [sflag:$0x2] =	stream.indirect_vreg.gather [hbm4b:s3+s2], $0x80, v4, vm0, $0xb8;
	[tilespmem:$0x18100] =	vst v63  }
0xa1: {  	s0 =	sld [smem:$0x7FD]  }
0xa2: {  	[tilespmem:s9], [sflag:$0x2] =	stream.indirect_vreg.gather [hbm4b:s4+s2], $0x80, v4, vm0, $0xb8;
	[tilespmem:$0x18100] =	vst v63  }
0xa3: {  	_ = 	snop  }
0xa4: {  	[tilespmem:s0], [sflag:$0x2] =	stream.indirect_vreg.gather [hbm4b:s3+s2], $0x80, v3, vm0, $0xb8;
	[tilespmem:$0x18100] =	vst v63  }
0xa5: {  	s9 =	simm.s32 $0xF900  }
0xa6: {  	[tilespmem:s9], [sflag:$0x2] =	stream.indirect_vreg.gather [hbm4b:s4+s2], $0x80, v3, vm0, $0xb8;
	[tilespmem:$0x18100] =	vst v63  }
0xa7: {  	v3 =	vld [tilespmem:$0x80];
	_ =	sdelay $0x4  }
0xa8: {  	v60 =	vshll.u32 v3, $0x2  }
0xa9: {  	v3 =	vand.u32 $0x7, v3;
	v4 =	vand.u32 $0xFFFFFFE0, v60  }
0xaa: {  	v3 =	vor.u32 v3, v4  }
0xab: {  	v4 =	vperm.xlane v3, v0;
	_ =	sdelay $0x1  }
0xac: {  	v4 =	vadd.s32 v1, v4;
	_ =	sdelay $0x1  }
0xad: {  	v3 =	vperm.xlane v3, v2;
	_ =	sdelay $0x1  }
0xae: {  	v3 =	vadd.s32 v1, v3  }
0xaf: {  	[tilespmem:s10], [sflag:$0x3] =	stream.indirect_vreg.gather [hbm4b:s3+s2], $0x80, v4, vm0, $0xb8;
	[tilespmem:$0x18100] =	vst v63  }
0xb0: {  	_ = 	snop  }
0xb1: {  	[tilespmem:s11], [sflag:$0x3] =	stream.indirect_vreg.gather [hbm4b:s4+s2], $0x80, v4, vm0, $0xb8;
	[tilespmem:$0x18100] =	vst v63  }
0xb2: {  	_ = 	snop  }
0xb3: {  	[tilespmem:s12], [sflag:$0x3] =	stream.indirect_vreg.gather [hbm4b:s3+s2], $0x80, v3, vm0, $0xb8;
	[tilespmem:$0x18100] =	vst v63  }
0xb4: {  	_ = 	snop  }
0xb5: {  	[tilespmem:s13], [sflag:$0x3] =	stream.indirect_vreg.gather [hbm4b:s4+s2], $0x80, v3, vm0, $0xb8;
	[tilespmem:$0x18100] =	vst v63  }
0xb6: {  	v3 =	vld [tilespmem:$0x90];
	_ =	sdelay $0x4  }
0xb7: {  	v61 =	vshll.u32 v3, $0x2  }
0xb8: {  	v3 =	vand.u32 $0x7, v3;
	v4 =	vand.u32 $0xFFFFFFE0, v61  }
0xb9: {  	v3 =	vor.u32 v3, v4  }
0xba: {  	v4 =	vperm.xlane v3, v0;
	_ =	sdelay $0x1  }
0xbb: {  	v4 =	vadd.s32 v1, v4;
	_ =	sdelay $0x1  }
0xbc: {  	v3 =	vperm.xlane v3, v2;
	_ =	sdelay $0x1  }
0xbd: {  	v3 =	vadd.s32 v1, v3  }
0xbe: {  	[tilespmem:s14], [sflag:$0x3] =	stream.indirect_vreg.gather [hbm4b:s3+s2], $0x80, v4, vm0, $0xb8;
	[tilespmem:$0x18100] =	vst v63  }
0xbf: {  	_ = 	snop  }
0xc0: {  	[tilespmem:s15], [sflag:$0x3] =	stream.indirect_vreg.gather [hbm4b:s4+s2], $0x80, v4, vm0, $0xb8;
	[tilespmem:$0x18100] =	vst v63  }
0xc1: {  	_ = 	snop  }
0xc2: {  	[tilespmem:s16], [sflag:$0x3] =	stream.indirect_vreg.gather [hbm4b:s3+s2], $0x80, v3, vm0, $0xb8;
	[tilespmem:$0x18100] =	vst v63  }
0xc3: {  	_ = 	snop  }
0xc4: {  	[tilespmem:s17], [sflag:$0x3] =	stream.indirect_vreg.gather [hbm4b:s4+s2], $0x80, v3, vm0, $0xb8;
	[tilespmem:$0x18100] =	vst v63  }
0xc5: {  	v3 =	vld [tilespmem:$0xA0];
	_ =	sdelay $0x4  }
0xc6: {  	v62 =	vshll.u32 v3, $0x2  }
0xc7: {  	v3 =	vand.u32 $0x7, v3;
	v4 =	vand.u32 $0xFFFFFFE0, v62  }
0xc8: {  	v3 =	vor.u32 v3, v4  }
0xc9: {  	v4 =	vperm.xlane v3, v0;
	_ =	sdelay $0x1  }
0xca: {  	v4 =	vadd.s32 v1, v4;
	_ =	sdelay $0x1  }
0xcb: {  	v3 =	vperm.xlane v3, v2;
	_ =	sdelay $0x1  }
0xcc: {  	v3 =	vadd.s32 v1, v3  }
0xcd: {  	[tilespmem:s18], [sflag:$0x3] =	stream.indirect_vreg.gather [hbm4b:s3+s2], $0x80, v4, vm0, $0xb8;
	[tilespmem:$0x18100] =	vst v63  }
0xce: {  	_ = 	snop  }
0xcf: {  	[tilespmem:s19], [sflag:$0x3] =	stream.indirect_vreg.gather [hbm4b:s4+s2], $0x80, v4, vm0, $0xb8;
	[tilespmem:$0x18100] =	vst v63  }
0xd0: {  	_ = 	snop  }
0xd1: {  	[tilespmem:s20], [sflag:$0x3] =	stream.indirect_vreg.gather [hbm4b:s3+s2], $0x80, v3, vm0, $0xb8;
	[tilespmem:$0x18100] =	vst v63  }
0xd2: {  	_ = 	snop  }
0xd3: {  	[tilespmem:s21], [sflag:$0x3] =	stream.indirect_vreg.gather [hbm4b:s4+s2], $0x80, v3, vm0, $0xb8;
	[tilespmem:$0x18100] =	vst v63  }
0xd4: {  	v3 =	vld [tilespmem:$0xB0];
	_ =	sdelay $0x4  }
0xd5: {  	v63 =	vshll.u32 v3, $0x2  }
0xd6: {  	v3 =	vand.u32 $0x7, v3;
	v4 =	vand.u32 $0xFFFFFFE0, v63  }
0xd7: {  	v3 =	vor.u32 v3, v4  }
0xd8: {  	v4 =	vperm.xlane v3, v0;
	_ =	sdelay $0x1  }
0xd9: {  	v4 =	vadd.s32 v1, v4;
	_ =	sdelay $0x1  }
0xda: {  	v3 =	vperm.xlane v3, v2;
	_ =	sdelay $0x1  }
0xdb: {  	v3 =	vadd.s32 v1, v3  }
0xdc: {  	[tilespmem:s22], [sflag:$0x3] =	stream.indirect_vreg.gather [hbm4b:s3+s2], $0x80, v4, vm0, $0xb8;
	[tilespmem:$0x18100] =	vst v63  }
0xdd: {  	_ = 	snop  }
0xde: {  	[tilespmem:s23], [sflag:$0x3] =	stream.indirect_vreg.gather [hbm4b:s4+s2], $0x80, v4, vm0, $0xb8;
	[tilespmem:$0x18100] =	vst v63  }
0xdf: {  	_ = 	snop  }
0xe0: {  	[tilespmem:s24], [sflag:$0x3] =	stream.indirect_vreg.gather [hbm4b:s3+s2], $0x80, v3, vm0, $0xb8;
	[tilespmem:$0x18100] =	vst v63  }
0xe1: {  	_ = 	snop  }
0xe2: {  	[tilespmem:s25], [sflag:$0x3] =	stream.indirect_vreg.gather [hbm4b:s4+s2], $0x80, v3, vm0, $0xb8;
	[tilespmem:$0x18100] =	vst v63  }
0xe3: {  	_ =	swait.ge [sflag:s26], $0x8000  }
0xe4: {  	[sflag:s26] =	ssyncset.done $0x0  }
0xe5: {  	s9 =	rddreg [dreg:$0x5];
	[sflag:s26] =	ssyncadd.s32 $0xFFFF8000  }
0xe6: {  	[hbm4b:s9+s2] =	stream.linear.scatter [tilespmem:s7], [sflag:$0x4], $0x8000, $0x38;
	[tilespmem:$0x18100] =	vst v63  }
0xe7: {  	_ =	swait.ge [sflag:s28], $0x8000  }
0xe8: {  	[sflag:s28] =	ssyncset.done $0x0  }
0xe9: {  	s9 =	rddreg [dreg:$0x6];
	[sflag:s28] =	ssyncadd.s32 $0xFFFF8000  }
0xea: {  	[hbm4b:s9+s2] =	stream.linear.scatter [tilespmem:s8], [sflag:$0x5], $0x8000, $0x38;
	[tilespmem:$0x18100] =	vst v63  }
0xeb: {  	_ =	swait.ge [sflag:s29], $0x8000  }
0xec: {  	[sflag:s29] =	ssyncset.done $0x0  }
0xed: {  	s9 =	rddreg [dreg:$0x7];
	[sflag:s29] =	ssyncadd.s32 $0xFFFF8000  }
0xee: {  	[hbm4b:s9+s2] =	stream.linear.scatter [tilespmem:s10], [sflag:$0x6], $0x8000, $0x38;
	[tilespmem:$0x18100] =	vst v63  }
0xef: {  	_ =	swait.ge [sflag:s30], $0x8000  }
0xf0: {  	[sflag:s30] =	ssyncset.done $0x0  }
0xf1: {  	[sflag:s30] =	ssyncadd.s32 $0xFFFF8000  }
0xf2: {  	p0 =	sne.s32 s5, $0x1;
	_ =	swait.ge [sflag:s31], $0x8000  }
.Ltmp0:
0xf3: {  	[sflag:s31] =	ssyncset.done $0x0;
	(pc) =	sbr.rel @p0 .LBB2_1-.Ltmp0, $4  }
0xf4: {  	[sflag:s31] =	ssyncadd.s32 $0xFFFF8000  }
0xf5: {  	_ =	swait.ge [sflag:s1], $0x8000  }
0xf6: {  	[sflag:s1] =	ssyncset.done $0x0  }
0xf7: {  	s5 =	sadd.s32 $0xFFFFFFFF, s5;
	[sflag:s1] =	ssyncadd.s32 $0xFFFF8000  }
0xf8: {  	_ =	sfence.sel $0x180000  }
0xf9: {  	[bflag:$0x0] =	sbarrier.arrive $0xFFFF  }
0xfa: {  	_ =	strace $0x90000047  }
0xfb: {  	s0 =	stileid.u32;
	[bflag:$0x2] =	sbarrier.arrive $0xFFFF  }
0xfc: {  	p0 =	sne.s32 s0, $0x0;
	s0 =	rddreg [dreg:$0x3]  }
0xfd: {  	s0 =	sadd.s32 @!p0 $0x100000, s0  }
0xfe: {  	[sflag:s0] =	ssyncadd.tile.s32 @!p0 $0x1;
	_ =	shalt  }
.Lfunc_end2:
_tile_overlayer_lowered:
.L_overlay_start_2:
0xff: {  	(tag) =	ssettag $0x2  }
0x100: {  	s0 =	rddreg [dreg:$0x0];
	s2 =	stileid.u32  }
0x101: {  	s1 =	rddreg [dreg:$0x1];
	p0 =	sne.s32 s2, $0x0  }
0x102: {  	s3 =	rddreg [dreg:$0x2];
	[bflag:$0x3] =	sbarrier.arrive $0xFFFF;
	s2 =	simm.s32 @!p0 $0x1C07  }
0x103: {  	[timem:s3], [sflag:s2] =	dma.local @!p0 [hbm:s0], s1  }
0x104: {  	s0 =	simm.s32 @!p0 $0x7  }
0x105: {  	_ =	swait.ge @!p0 [sflag:s0], s1  }
0x106: {  	s1 =	ssub.s32 @!p0 $0x0, s1;
	[sflag:s0] =	ssyncset.done @!p0 $0x0  }
0x107: {  	[sflag:s0] =	ssyncadd.s32 @!p0 s1  }
0x108: {  	[bflag:$0x3] =	sbarrier.arrive $0xFFFF  }
0x109: {  	_ =	shalt  }

</sc_bundles>
